<compile_context>
chip_gen: v7x
topology: tpu7x:2x2x1
jax: 0.10.2.dev20260603
libtpu: 0.0.44.dev20260713+nightly
codegen_flags: <defaults>
</compile_context>

<pallas_src>
import functools

import jax
import jax.numpy as jnp
from jax import lax
from jax.experimental import pallas as pl
from jax.experimental.pallas import tpu as pltpu
from jax.experimental.pallas import tpu_sc as plsc

N_NODES = 10000
NFEAT = 128
N_EDGES = 320000
NCLASS = 40

NC = 2
NS = 16
NW = NC * NS
EDGES_PER_TILE = N_EDGES // NW
CHUNK = 125
NCHUNK = EDGES_PER_TILE // CHUNK
IBLK = 40
NBLK = NCHUNK // IBLK
ROWS_PER_TILE = 624
ROWS_TAIL = N_NODES - NS * ROWS_PER_TILE

_sc_mesh = plsc.VectorSubcoreMesh(core_axis_name="c", subcore_axis_name="s")


@functools.partial(
    pl.kernel,
    mesh=_sc_mesh,
    out_type=jax.ShapeDtypeStruct((NC * N_NODES, NFEAT), jnp.float32),
    scratch_types=[
        pltpu.VMEM((IBLK, CHUNK), jnp.int32),
        pltpu.VMEM((IBLK, CHUNK), jnp.int32),
        pltpu.VMEM((CHUNK, NFEAT), jnp.float32),
        pltpu.VMEM((CHUNK, NFEAT), jnp.float32),
        pltpu.VMEM_SHARED((N_NODES, NFEAT), jnp.float32),
        pltpu.SemaphoreType.DMA,
        pltpu.SemaphoreType.DMA,
    ],
)
def _sc_aggregate(x_hbm, src_hbm, dst_hbm, zero_hbm, out_hbm,
                  src_v, dst_v, rows_a, rows_b, acc_sh, sem_a, sem_b):
    cid = lax.axis_index("c")
    sid = lax.axis_index("s")
    wid = sid * NC + cid

    init_lo = pl.ds(sid * ROWS_PER_TILE, ROWS_PER_TILE)
    tail = pl.ds(NS * ROWS_PER_TILE, ROWS_TAIL)

    @pl.when(cid == 0)
    def _():
        pltpu.sync_copy(x_hbm.at[init_lo], acc_sh.at[init_lo])

        @pl.when(sid == 0)
        def _():
            pltpu.sync_copy(x_hbm.at[tail], acc_sh.at[tail])

    @pl.when(cid == 1)
    def _():
        pltpu.sync_copy(zero_hbm.at[init_lo], acc_sh.at[init_lo])

        @pl.when(sid == 0)
        def _():
            pltpu.sync_copy(zero_hbm.at[tail], acc_sh.at[tail])

    plsc.subcore_barrier()

    def blk_body(b, carry):
        pltpu.sync_copy(src_hbm.at[wid, b], src_v)
        pltpu.sync_copy(dst_hbm.at[wid, b], dst_v)
        pltpu.async_copy(x_hbm.at[src_v.at[0]], rows_a, sem_a)

        def body(i, carry2):
            j = 2 * i
            pltpu.async_copy(x_hbm.at[src_v.at[j + 1]], rows_b, sem_b)
            pltpu.make_async_copy(x_hbm.at[src_v.at[j]], rows_a,
                                  sem_a).wait()
            pltpu.sync_copy(rows_a, acc_sh.at[dst_v.at[j]], add=True)

            @pl.when(j + 2 < IBLK)
            def _():
                pltpu.async_copy(x_hbm.at[src_v.at[j + 2]], rows_a, sem_a)

            pltpu.make_async_copy(x_hbm.at[src_v.at[j + 1]], rows_b,
                                  sem_b).wait()
            pltpu.sync_copy(rows_b, acc_sh.at[dst_v.at[j + 1]], add=True)
            return carry2

        lax.fori_loop(0, IBLK // 2, body, 0)
        return carry

    lax.fori_loop(0, NBLK, blk_body, 0)

    plsc.subcore_barrier()

    pltpu.sync_copy(
        acc_sh.at[pl.ds(sid * ROWS_PER_TILE, ROWS_PER_TILE)],
        out_hbm.at[pl.ds(cid * N_NODES + sid * ROWS_PER_TILE, ROWS_PER_TILE)],
    )

    @pl.when(sid == 0)
    def _():
        pltpu.sync_copy(
            acc_sh.at[pl.ds(NS * ROWS_PER_TILE, ROWS_TAIL)],
            out_hbm.at[pl.ds(cid * N_NODES + NS * ROWS_PER_TILE, ROWS_TAIL)],
        )


def _matmul_t(h, W):
    return lax.dot_general(h, W, (((1,), (1,)), ((), ())),
                           preferred_element_type=jnp.float32)


def _tc_mlp(agg_ref, W1_ref, b1_ref, g_ref, be_ref,
            W2_ref, b2_ref, Wfc_ref, bfc_ref, o_ref):
    h = agg_ref[0:N_NODES, :] + agg_ref[N_NODES:, :]
    h = jnp.maximum(_matmul_t(h, W1_ref[...]) + b1_ref[...], 0.0)
    mean = jnp.mean(h, axis=0, keepdims=True)
    var = jnp.mean((h - mean) ** 2, axis=0, keepdims=True)
    h = (h - mean) * (g_ref[...] * lax.rsqrt(var + 1e-5)) + be_ref[...]
    h = _matmul_t(h, W2_ref[...]) + b2_ref[...]
    o_ref[...] = _matmul_t(h, Wfc_ref[...]) + bfc_ref[...]


def kernel(x, edge_index, W1, b1, gamma, beta, W2, b2, Wfc, bfc):
    x = x.astype(jnp.float32)
    ei = edge_index.astype(jnp.int32)
    src = ei[0].reshape(NW, NBLK, IBLK, CHUNK)
    dst = ei[1].reshape(NW, NBLK, IBLK, CHUNK)
    zero = jnp.zeros((N_NODES, NFEAT), jnp.float32)

    agg = _sc_aggregate(x, src, dst, zero)

    out = pl.pallas_call(
        _tc_mlp,
        out_shape=jax.ShapeDtypeStruct((N_NODES, NCLASS), jnp.float32),
    )(agg, W1, b1.reshape(1, -1), gamma.reshape(1, -1),
      beta.reshape(1, -1), W2, b2.reshape(1, -1), Wfc, bfc.reshape(1, -1))
    return out

# --- scband reference (transcript-rebuilt; emitter-appended) ---
"""Pipeline reference for scband-gin-4913442586833 (READ-ONLY COPY).

The authoritative reference and input builder live on the scoring server;
editing this copy changes nothing except your own understanding.
"""

import jax, jax.numpy as jnp
import numpy as np

NFEAT = 128
NHID = 128
NCLASS = 40
N_NODES = 10000
N_EDGES = 320000

def setup_inputs(seed: int = 0) -> dict:
    key = jax.random.key(seed)
    ks = jax.random.split(key, 10)
    x = jax.random.normal(ks[0], (N_NODES, NFEAT), dtype=jnp.float32)
    edge_index = jax.random.randint(ks[1], (2, N_EDGES), 0, N_NODES, dtype=jnp.int64)
    # Xavier-uniform init for linear layers (matching torch.nn.init.xavier_uniform_)
    def xavier(k, fan_out, fan_in):
        limit = float(np.sqrt(6.0 / (fan_in + fan_out)))
        return jax.random.uniform(k, (fan_out, fan_in), dtype=jnp.float32, minval=-limit, maxval=limit)
    W1 = xavier(ks[2], NHID, NFEAT)
    b1 = jnp.zeros((NHID,), dtype=jnp.float32)
    gamma = jnp.ones((NHID,), dtype=jnp.float32)
    beta = jnp.zeros((NHID,), dtype=jnp.float32)
    W2 = xavier(ks[3], NHID, NHID)
    b2 = jnp.zeros((NHID,), dtype=jnp.float32)
    Wfc = xavier(ks[4], NCLASS, NHID)
    bfc = jnp.zeros((NCLASS,), dtype=jnp.float32)
    return {"x": x, "edge_index": edge_index, "W1": W1, "b1": b1, "gamma": gamma, "beta": beta, "W2": W2, "b2": b2, "Wfc": Wfc, "bfc": bfc}

def reference(x, edge_index, W1, b1, gamma, beta, W2, b2, Wfc, bfc):
    # GINConv with default eps=0: h_i = mlp((1 + eps) * x_i + sum_{j in N(i)} x_j)
    src = edge_index[0]
    dst = edge_index[1]
    msgs = jnp.take(x, src, axis=0)                      # gather (SparseCore)
    agg = jax.ops.segment_sum(msgs, dst, num_segments=x.shape[0])  # scatter-add
    h = x + agg                                          # (1+0)*x + agg
    # mlp1: Linear -> ReLU -> BatchNorm1d (training-mode batch stats) -> Linear
    h = h @ W1.T + b1
    h = jax.nn.relu(h)
    mean = jnp.mean(h, axis=0)
    var = jnp.var(h, axis=0)
    h = (h - mean) / jnp.sqrt(var + 1e-5) * gamma + beta
    h = h @ W2.T + b2
    # final classifier
    out = h @ Wfc.T + bfc
    return out

if __name__ == "__main__":
    import jax
    _d = setup_inputs()
    print(jax.jit(kernel)(*tuple(_d.values())))

</pallas_src>

<mosaic_0001>
#map = affine_map<(d0, d1) -> (0, 0)>
#map1 = affine_map<(d0, d1) -> (0, 0, 0, 0)>
module attributes {stable_mosaic.version = 14 : i64} {
  func.func @_sc_aggregate(%arg0: i32, %arg1: i32, %arg2: memref<10000x128xf32, #tpu.memory_space<hbm>>, %arg3: memref<32x2x40x125xi32, #tpu.memory_space<hbm>>, %arg4: memref<32x2x40x125xi32, #tpu.memory_space<hbm>>, %arg5: memref<10000x128xf32, #tpu.memory_space<hbm>>, %arg6: memref<20000x128xf32, #tpu.memory_space<hbm>>, %arg7: memref<40x125xi32, #tpu.memory_space<vmem>>, %arg8: memref<40x125xi32, #tpu.memory_space<vmem>>, %arg9: memref<125x128xf32, #tpu.memory_space<vmem>>, %arg10: memref<125x128xf32, #tpu.memory_space<vmem>>, %arg11: memref<10000x128xf32, #tpu.memory_space<vmem_shared>>, %arg12: memref<!tpu.dma_semaphore, #tpu.memory_space<semaphore_mem>>, %arg13: memref<!tpu.dma_semaphore, #tpu.memory_space<semaphore_mem>>) attributes {dimension_semantics = [#tpu.dimension_semantics<core_parallel>, #tpu.dimension_semantics<subcore_parallel>], iteration_bounds = array<i64: 2, 16>, scalar_prefetch = 0 : i64, scratch_operands = 7 : i64, tpu.core_type = #tpu.core_type<sc_vector_subcore>, window_params = [{transform_indices = #map}, {transform_indices = #map1}, {transform_indices = #map1}, {transform_indices = #map}, {transform_indices = #map}]} {
    %mul3A = arith.constant 2 : i32
    %mul3A_0 = arith.muli %arg1, %mul3A : i32
    %add3A = arith.addi %mul3A_0, %arg0 : i32
    %mul3A_1 = arith.constant 624 : i32
    %mul3A_2 = arith.muli %arg1, %mul3A_1 : i32
    %eq3A = arith.constant 0 : i32
    %eq3A_3 = arith.cmpi eq, %arg0, %eq3A : i32
    %convert_element_type3A = arith.extui %eq3A_3 : i1 to i32
    %cond3A = arith.constant 0 : i32
    %cond3A_4 = arith.cmpi ne, %convert_element_type3A, %cond3A : i32
    scf.if %cond3A_4 {
      "tpu.region"() ({
        %run_scoped3A = tpu.sem_alloc : memref<!tpu.dma_semaphore, #tpu.memory_space<semaphore_mem>>
        %dma_start3A = arith.constant 0 : i32
        %dma_start3A_33 = tpu.memref_slice %arg11[%mul3A_2, %dma_start3A] : memref<10000x128xf32, #tpu.memory_space<vmem_shared>> -> memref<624x128xf32, #tpu.memory_space<vmem_shared>>
        %dma_start3A_34 = arith.constant 0 : i32
        %dma_start3A_35 = tpu.memref_slice %arg2[%mul3A_2, %dma_start3A_34] : memref<10000x128xf32, #tpu.memory_space<hbm>> -> memref<624x128xf32, #tpu.memory_space<hbm>>
        tpu.enqueue_dma source(%dma_start3A_35 : memref<624x128xf32, #tpu.memory_space<hbm>>) target(%dma_start3A_33 : memref<624x128xf32, #tpu.memory_space<vmem_shared>>) target_semaphore(%run_scoped3A : memref<!tpu.dma_semaphore, #tpu.memory_space<semaphore_mem>>)
        %dma_wait3A = arith.constant 0 : i32
        %dma_wait3A_36 = tpu.memref_slice %arg11[%mul3A_2, %dma_wait3A] : memref<10000x128xf32, #tpu.memory_space<vmem_shared>> -> memref<624x128xf32, #tpu.memory_space<vmem_shared>>
        %dma_wait3A_37 = arith.constant 0 : i32
        %dma_wait3A_38 = tpu.memref_slice %arg2[%mul3A_2, %dma_wait3A_37] : memref<10000x128xf32, #tpu.memory_space<hbm>> -> memref<624x128xf32, #tpu.memory_space<hbm>>
        tpu.wait_dma2 semaphore(%run_scoped3A : memref<!tpu.dma_semaphore, #tpu.memory_space<semaphore_mem>>) src(%dma_wait3A_38 : memref<624x128xf32, #tpu.memory_space<hbm>>) dst(%dma_wait3A_36 : memref<624x128xf32, #tpu.memory_space<vmem_shared>>)
        tpu.yield
      }) : () -> ()
      %eq3A_28 = arith.constant 0 : i32
      %eq3A_29 = arith.cmpi eq, %arg1, %eq3A_28 : i32
      %convert_element_type3A_30 = arith.extui %eq3A_29 : i1 to i32
      %cond3A_31 = arith.constant 0 : i32
      %cond3A_32 = arith.cmpi ne, %convert_element_type3A_30, %cond3A_31 : i32
      scf.if %cond3A_32 {
        "tpu.region"() ({
          %run_scoped3A = tpu.sem_alloc : memref<!tpu.dma_semaphore, #tpu.memory_space<semaphore_mem>>
          %dma_start3A = arith.constant 9984 : i32
          %dma_start3A_33 = arith.constant 0 : i32
          %dma_start3A_34 = tpu.memref_slice %arg11[%dma_start3A, %dma_start3A_33] : memref<10000x128xf32, #tpu.memory_space<vmem_shared>> -> memref<16x128xf32, #tpu.memory_space<vmem_shared>>
          %dma_start3A_35 = arith.constant 9984 : i32
          %dma_start3A_36 = arith.constant 0 : i32
          %dma_start3A_37 = tpu.memref_slice %arg2[%dma_start3A_35, %dma_start3A_36] : memref<10000x128xf32, #tpu.memory_space<hbm>> -> memref<16x128xf32, #tpu.memory_space<hbm>>
          tpu.enqueue_dma source(%dma_start3A_37 : memref<16x128xf32, #tpu.memory_space<hbm>>) target(%dma_start3A_34 : memref<16x128xf32, #tpu.memory_space<vmem_shared>>) target_semaphore(%run_scoped3A : memref<!tpu.dma_semaphore, #tpu.memory_space<semaphore_mem>>)
          %dma_wait3A = arith.constant 9984 : i32
          %dma_wait3A_38 = arith.constant 0 : i32
          %dma_wait3A_39 = tpu.memref_slice %arg11[%dma_wait3A, %dma_wait3A_38] : memref<10000x128xf32, #tpu.memory_space<vmem_shared>> -> memref<16x128xf32, #tpu.memory_space<vmem_shared>>
          %dma_wait3A_40 = arith.constant 9984 : i32
          %dma_wait3A_41 = arith.constant 0 : i32
          %dma_wait3A_42 = tpu.memref_slice %arg2[%dma_wait3A_40, %dma_wait3A_41] : memref<10000x128xf32, #tpu.memory_space<hbm>> -> memref<16x128xf32, #tpu.memory_space<hbm>>
          tpu.wait_dma2 semaphore(%run_scoped3A : memref<!tpu.dma_semaphore, #tpu.memory_space<semaphore_mem>>) src(%dma_wait3A_42 : memref<16x128xf32, #tpu.memory_space<hbm>>) dst(%dma_wait3A_39 : memref<16x128xf32, #tpu.memory_space<vmem_shared>>)
          tpu.yield
        }) : () -> ()
      } else {
      }
    } else {
    }
    %eq3A_5 = arith.constant 1 : i32
    %eq3A_6 = arith.cmpi eq, %arg0, %eq3A_5 : i32
    %convert_element_type3A_7 = arith.extui %eq3A_6 : i1 to i32
    %cond3A_8 = arith.constant 0 : i32
    %cond3A_9 = arith.cmpi ne, %convert_element_type3A_7, %cond3A_8 : i32
    scf.if %cond3A_9 {
      "tpu.region"() ({
        %run_scoped3A = tpu.sem_alloc : memref<!tpu.dma_semaphore, #tpu.memory_space<semaphore_mem>>
        %dma_start3A = arith.constant 0 : i32
        %dma_start3A_33 = tpu.memref_slice %arg11[%mul3A_2, %dma_start3A] : memref<10000x128xf32, #tpu.memory_space<vmem_shared>> -> memref<624x128xf32, #tpu.memory_space<vmem_shared>>
        %dma_start3A_34 = arith.constant 0 : i32
        %dma_start3A_35 = tpu.memref_slice %arg5[%mul3A_2, %dma_start3A_34] : memref<10000x128xf32, #tpu.memory_space<hbm>> -> memref<624x128xf32, #tpu.memory_space<hbm>>
        tpu.enqueue_dma source(%dma_start3A_35 : memref<624x128xf32, #tpu.memory_space<hbm>>) target(%dma_start3A_33 : memref<624x128xf32, #tpu.memory_space<vmem_shared>>) target_semaphore(%run_scoped3A : memref<!tpu.dma_semaphore, #tpu.memory_space<semaphore_mem>>)
        %dma_wait3A = arith.constant 0 : i32
        %dma_wait3A_36 = tpu.memref_slice %arg11[%mul3A_2, %dma_wait3A] : memref<10000x128xf32, #tpu.memory_space<vmem_shared>> -> memref<624x128xf32, #tpu.memory_space<vmem_shared>>
        %dma_wait3A_37 = arith.constant 0 : i32
        %dma_wait3A_38 = tpu.memref_slice %arg5[%mul3A_2, %dma_wait3A_37] : memref<10000x128xf32, #tpu.memory_space<hbm>> -> memref<624x128xf32, #tpu.memory_space<hbm>>
        tpu.wait_dma2 semaphore(%run_scoped3A : memref<!tpu.dma_semaphore, #tpu.memory_space<semaphore_mem>>) src(%dma_wait3A_38 : memref<624x128xf32, #tpu.memory_space<hbm>>) dst(%dma_wait3A_36 : memref<624x128xf32, #tpu.memory_space<vmem_shared>>)
        tpu.yield
      }) : () -> ()
      %eq3A_28 = arith.constant 0 : i32
      %eq3A_29 = arith.cmpi eq, %arg1, %eq3A_28 : i32
      %convert_element_type3A_30 = arith.extui %eq3A_29 : i1 to i32
      %cond3A_31 = arith.constant 0 : i32
      %cond3A_32 = arith.cmpi ne, %convert_element_type3A_30, %cond3A_31 : i32
      scf.if %cond3A_32 {
        "tpu.region"() ({
          %run_scoped3A = tpu.sem_alloc : memref<!tpu.dma_semaphore, #tpu.memory_space<semaphore_mem>>
          %dma_start3A = arith.constant 9984 : i32
          %dma_start3A_33 = arith.constant 0 : i32
          %dma_start3A_34 = tpu.memref_slice %arg11[%dma_start3A, %dma_start3A_33] : memref<10000x128xf32, #tpu.memory_space<vmem_shared>> -> memref<16x128xf32, #tpu.memory_space<vmem_shared>>
          %dma_start3A_35 = arith.constant 9984 : i32
          %dma_start3A_36 = arith.constant 0 : i32
          %dma_start3A_37 = tpu.memref_slice %arg5[%dma_start3A_35, %dma_start3A_36] : memref<10000x128xf32, #tpu.memory_space<hbm>> -> memref<16x128xf32, #tpu.memory_space<hbm>>
          tpu.enqueue_dma source(%dma_start3A_37 : memref<16x128xf32, #tpu.memory_space<hbm>>) target(%dma_start3A_34 : memref<16x128xf32, #tpu.memory_space<vmem_shared>>) target_semaphore(%run_scoped3A : memref<!tpu.dma_semaphore, #tpu.memory_space<semaphore_mem>>)
          %dma_wait3A = arith.constant 9984 : i32
          %dma_wait3A_38 = arith.constant 0 : i32
          %dma_wait3A_39 = tpu.memref_slice %arg11[%dma_wait3A, %dma_wait3A_38] : memref<10000x128xf32, #tpu.memory_space<vmem_shared>> -> memref<16x128xf32, #tpu.memory_space<vmem_shared>>
          %dma_wait3A_40 = arith.constant 9984 : i32
          %dma_wait3A_41 = arith.constant 0 : i32
          %dma_wait3A_42 = tpu.memref_slice %arg5[%dma_wait3A_40, %dma_wait3A_41] : memref<10000x128xf32, #tpu.memory_space<hbm>> -> memref<16x128xf32, #tpu.memory_space<hbm>>
          tpu.wait_dma2 semaphore(%run_scoped3A : memref<!tpu.dma_semaphore, #tpu.memory_space<semaphore_mem>>) src(%dma_wait3A_42 : memref<16x128xf32, #tpu.memory_space<hbm>>) dst(%dma_wait3A_39 : memref<16x128xf32, #tpu.memory_space<vmem_shared>>)
          tpu.yield
        }) : () -> ()
      } else {
      }
    } else {
    }
    %barrier3A = arith.constant 0 : index
    tpu.barrier barrier_id(%barrier3A)
    %scan3A = arith.constant 0 : i32
    %scan3A_10 = arith.constant 0 : i32
    %scan3A_11 = arith.constant 2 : i32
    %scan3A_12 = arith.addi %scan3A_10, %scan3A_11 : i32
    %scan3A_13 = arith.constant 1 : i32
    scf.for %scan3A_28 = %scan3A_10 to %scan3A_12 step %scan3A_13  : i32 {
      "tpu.region"() ({
        %run_scoped3A = tpu.sem_alloc : memref<!tpu.dma_semaphore, #tpu.memory_space<semaphore_mem>>
        %dma_start3A_41 = arith.constant 0 : i32
        %dma_start3A_42 = arith.constant 0 : i32
        %dma_start3A_43 = tpu.memref_slice %arg3[%add3A, %scan3A_28, %dma_start3A_41, %dma_start3A_42] : memref<32x2x40x125xi32, #tpu.memory_space<hbm>> -> memref<1x1x40x125xi32, #tpu.memory_space<hbm>>
        %dma_start3A_44 = tpu.memref_squeeze %dma_start3A_43 : memref<1x1x40x125xi32, #tpu.memory_space<hbm>> -> memref<40x125xi32, #tpu.memory_space<hbm>>
        %dma_start3A_45 = arith.constant 0 : i32
        %dma_start3A_46 = arith.constant 0 : i32
        %dma_start3A_47 = tpu.memref_slice %arg3[%add3A, %scan3A_28, %dma_start3A_45, %dma_start3A_46] : memref<32x2x40x125xi32, #tpu.memory_space<hbm>> -> memref<1x1x40x125xi32, #tpu.memory_space<hbm>>
        %dma_start3A_48 = tpu.memref_squeeze %dma_start3A_47 : memref<1x1x40x125xi32, #tpu.memory_space<hbm>> -> memref<40x125xi32, #tpu.memory_space<hbm>>
        tpu.enqueue_dma source(%dma_start3A_48 : memref<40x125xi32, #tpu.memory_space<hbm>>) target(%arg7 : memref<40x125xi32, #tpu.memory_space<vmem>>) target_semaphore(%run_scoped3A : memref<!tpu.dma_semaphore, #tpu.memory_space<semaphore_mem>>)
        %dma_wait3A = arith.constant 0 : i32
        %dma_wait3A_49 = arith.constant 0 : i32
        %dma_wait3A_50 = tpu.memref_slice %arg3[%add3A, %scan3A_28, %dma_wait3A, %dma_wait3A_49] : memref<32x2x40x125xi32, #tpu.memory_space<hbm>> -> memref<1x1x40x125xi32, #tpu.memory_space<hbm>>
        %dma_wait3A_51 = tpu.memref_squeeze %dma_wait3A_50 : memref<1x1x40x125xi32, #tpu.memory_space<hbm>> -> memref<40x125xi32, #tpu.memory_space<hbm>>
        %dma_wait3A_52 = arith.constant 0 : i32
        %dma_wait3A_53 = arith.constant 0 : i32
        %dma_wait3A_54 = tpu.memref_slice %arg3[%add3A, %scan3A_28, %dma_wait3A_52, %dma_wait3A_53] : memref<32x2x40x125xi32, #tpu.memory_space<hbm>> -> memref<1x1x40x125xi32, #tpu.memory_space<hbm>>
        %dma_wait3A_55 = tpu.memref_squeeze %dma_wait3A_54 : memref<1x1x40x125xi32, #tpu.memory_space<hbm>> -> memref<40x125xi32, #tpu.memory_space<hbm>>
        tpu.wait_dma2 semaphore(%run_scoped3A : memref<!tpu.dma_semaphore, #tpu.memory_space<semaphore_mem>>) src(%dma_wait3A_55 : memref<40x125xi32, #tpu.memory_space<hbm>>) dst(%arg7 : memref<40x125xi32, #tpu.memory_space<vmem>>)
        tpu.yield
      }) : () -> ()
      "tpu.region"() ({
        %run_scoped3A = tpu.sem_alloc : memref<!tpu.dma_semaphore, #tpu.memory_space<semaphore_mem>>
        %dma_start3A_41 = arith.constant 0 : i32
        %dma_start3A_42 = arith.constant 0 : i32
        %dma_start3A_43 = tpu.memref_slice %arg4[%add3A, %scan3A_28, %dma_start3A_41, %dma_start3A_42] : memref<32x2x40x125xi32, #tpu.memory_space<hbm>> -> memref<1x1x40x125xi32, #tpu.memory_space<hbm>>
        %dma_start3A_44 = tpu.memref_squeeze %dma_start3A_43 : memref<1x1x40x125xi32, #tpu.memory_space<hbm>> -> memref<40x125xi32, #tpu.memory_space<hbm>>
        %dma_start3A_45 = arith.constant 0 : i32
        %dma_start3A_46 = arith.constant 0 : i32
        %dma_start3A_47 = tpu.memref_slice %arg4[%add3A, %scan3A_28, %dma_start3A_45, %dma_start3A_46] : memref<32x2x40x125xi32, #tpu.memory_space<hbm>> -> memref<1x1x40x125xi32, #tpu.memory_space<hbm>>
        %dma_start3A_48 = tpu.memref_squeeze %dma_start3A_47 : memref<1x1x40x125xi32, #tpu.memory_space<hbm>> -> memref<40x125xi32, #tpu.memory_space<hbm>>
        tpu.enqueue_dma source(%dma_start3A_48 : memref<40x125xi32, #tpu.memory_space<hbm>>) target(%arg8 : memref<40x125xi32, #tpu.memory_space<vmem>>) target_semaphore(%run_scoped3A : memref<!tpu.dma_semaphore, #tpu.memory_space<semaphore_mem>>)
        %dma_wait3A = arith.constant 0 : i32
        %dma_wait3A_49 = arith.constant 0 : i32
        %dma_wait3A_50 = tpu.memref_slice %arg4[%add3A, %scan3A_28, %dma_wait3A, %dma_wait3A_49] : memref<32x2x40x125xi32, #tpu.memory_space<hbm>> -> memref<1x1x40x125xi32, #tpu.memory_space<hbm>>
        %dma_wait3A_51 = tpu.memref_squeeze %dma_wait3A_50 : memref<1x1x40x125xi32, #tpu.memory_space<hbm>> -> memref<40x125xi32, #tpu.memory_space<hbm>>
        %dma_wait3A_52 = arith.constant 0 : i32
        %dma_wait3A_53 = arith.constant 0 : i32
        %dma_wait3A_54 = tpu.memref_slice %arg4[%add3A, %scan3A_28, %dma_wait3A_52, %dma_wait3A_53] : memref<32x2x40x125xi32, #tpu.memory_space<hbm>> -> memref<1x1x40x125xi32, #tpu.memory_space<hbm>>
        %dma_wait3A_55 = tpu.memref_squeeze %dma_wait3A_54 : memref<1x1x40x125xi32, #tpu.memory_space<hbm>> -> memref<40x125xi32, #tpu.memory_space<hbm>>
        tpu.wait_dma2 semaphore(%run_scoped3A : memref<!tpu.dma_semaphore, #tpu.memory_space<semaphore_mem>>) src(%dma_wait3A_55 : memref<40x125xi32, #tpu.memory_space<hbm>>) dst(%arg8 : memref<40x125xi32, #tpu.memory_space<vmem>>)
        tpu.yield
      }) : () -> ()
      %dma_start3A = arith.constant 0 : i32
      %dma_start3A_29 = arith.constant 0 : i32
      %dma_start3A_30 = tpu.memref_slice %arg7[%dma_start3A, %dma_start3A_29] : memref<40x125xi32, #tpu.memory_space<vmem>> -> memref<1x125xi32, #tpu.memory_space<vmem>>
      %dma_start3A_31 = tpu.memref_squeeze %dma_start3A_30 : memref<1x125xi32, #tpu.memory_space<vmem>> -> memref<125xi32, #tpu.memory_space<vmem>>
      %dma_start3A_32 = arith.constant 0 : i32
      %dma_start3A_33 = arith.constant 0 : i32
      %dma_start3A_34 = tpu.memref_slice %arg2[%dma_start3A_32, %dma_start3A_33] : memref<10000x128xf32, #tpu.memory_space<hbm>> -> memref<10000x128xf32, #tpu.memory_space<hbm>>
      tpu.enqueue_indirect_dma source(%dma_start3A_34 : memref<10000x128xf32, #tpu.memory_space<hbm>>) target(%arg9 : memref<125x128xf32, #tpu.memory_space<vmem>>) offsets(%dma_start3A_31 : memref<125xi32, #tpu.memory_space<vmem>>) semaphore(%arg12 : memref<!tpu.dma_semaphore, #tpu.memory_space<semaphore_mem>>)
      %scan3A_35 = arith.constant 0 : i32
      %scan3A_36 = arith.constant 0 : i32
      %scan3A_37 = arith.constant 20 : i32
      %scan3A_38 = arith.addi %scan3A_36, %scan3A_37 : i32
      %scan3A_39 = arith.constant 1 : i32
      scf.for %scan3A_41 = %scan3A_36 to %scan3A_38 step %scan3A_39  : i32 {
        %mul3A_42 = arith.constant 2 : i32
        %mul3A_43 = arith.muli %mul3A_42, %scan3A_41 : i32
        %add3A_44 = arith.constant 1 : i32
        %add3A_45 = arith.addi %mul3A_43, %add3A_44 : i32
        %dma_start3A_46 = arith.constant 0 : i32
        %dma_start3A_47 = tpu.memref_slice %arg7[%add3A_45, %dma_start3A_46] : memref<40x125xi32, #tpu.memory_space<vmem>> -> memref<1x125xi32, #tpu.memory_space<vmem>>
        %dma_start3A_48 = tpu.memref_squeeze %dma_start3A_47 : memref<1x125xi32, #tpu.memory_space<vmem>> -> memref<125xi32, #tpu.memory_space<vmem>>
        %dma_start3A_49 = arith.constant 0 : i32
        %dma_start3A_50 = arith.constant 0 : i32
        %dma_start3A_51 = tpu.memref_slice %arg2[%dma_start3A_49, %dma_start3A_50] : memref<10000x128xf32, #tpu.memory_space<hbm>> -> memref<10000x128xf32, #tpu.memory_space<hbm>>
        tpu.enqueue_indirect_dma source(%dma_start3A_51 : memref<10000x128xf32, #tpu.memory_space<hbm>>) target(%arg10 : memref<125x128xf32, #tpu.memory_space<vmem>>) offsets(%dma_start3A_48 : memref<125xi32, #tpu.memory_space<vmem>>) semaphore(%arg13 : memref<!tpu.dma_semaphore, #tpu.memory_space<semaphore_mem>>)
        %dma_wait3A = arith.constant 0 : i32
        %dma_wait3A_52 = tpu.memref_slice %arg7[%mul3A_43, %dma_wait3A] : memref<40x125xi32, #tpu.memory_space<vmem>> -> memref<1x125xi32, #tpu.memory_space<vmem>>
        %dma_wait3A_53 = tpu.memref_squeeze %dma_wait3A_52 : memref<1x125xi32, #tpu.memory_space<vmem>> -> memref<125xi32, #tpu.memory_space<vmem>>
        %dma_wait3A_54 = arith.constant 0 : i32
        %dma_wait3A_55 = arith.constant 0 : i32
        %dma_wait3A_56 = tpu.memref_slice %arg2[%dma_wait3A_54, %dma_wait3A_55] : memref<10000x128xf32, #tpu.memory_space<hbm>> -> memref<10000x128xf32, #tpu.memory_space<hbm>>
        tpu.wait_indirect_dma semaphore(%arg12 : memref<!tpu.dma_semaphore, #tpu.memory_space<semaphore_mem>>) src(%dma_wait3A_56 : memref<10000x128xf32, #tpu.memory_space<hbm>>) dst(%arg9 : memref<125x128xf32, #tpu.memory_space<vmem>>)
        "tpu.region"() ({
          %run_scoped3A = tpu.sem_alloc : memref<!tpu.dma_semaphore, #tpu.memory_space<semaphore_mem>>
          %dma_start3A_73 = arith.constant 0 : i32
          %dma_start3A_74 = tpu.memref_slice %arg8[%mul3A_43, %dma_start3A_73] : memref<40x125xi32, #tpu.memory_space<vmem>> -> memref<1x125xi32, #tpu.memory_space<vmem>>
          %dma_start3A_75 = tpu.memref_squeeze %dma_start3A_74 : memref<1x125xi32, #tpu.memory_space<vmem>> -> memref<125xi32, #tpu.memory_space<vmem>>
          %dma_start3A_76 = arith.constant 0 : i32
          %dma_start3A_77 = arith.constant 0 : i32
          %dma_start3A_78 = tpu.memref_slice %arg11[%dma_start3A_76, %dma_start3A_77] : memref<10000x128xf32, #tpu.memory_space<vmem_shared>> -> memref<10000x128xf32, #tpu.memory_space<vmem_shared>>
          tpu.enqueue_indirect_dma source(%arg9 : memref<125x128xf32, #tpu.memory_space<vmem>>) target(%dma_start3A_78 : memref<10000x128xf32, #tpu.memory_space<vmem_shared>>) offsets(%dma_start3A_75 : memref<125xi32, #tpu.memory_space<vmem>>) semaphore(%run_scoped3A : memref<!tpu.dma_semaphore, #tpu.memory_space<semaphore_mem>>) {add = true}
          %dma_wait3A_79 = arith.constant 0 : i32
          %dma_wait3A_80 = tpu.memref_slice %arg8[%mul3A_43, %dma_wait3A_79] : memref<40x125xi32, #tpu.memory_space<vmem>> -> memref<1x125xi32, #tpu.memory_space<vmem>>
          %dma_wait3A_81 = tpu.memref_squeeze %dma_wait3A_80 : memref<1x125xi32, #tpu.memory_space<vmem>> -> memref<125xi32, #tpu.memory_space<vmem>>
          %dma_wait3A_82 = arith.constant 0 : i32
          %dma_wait3A_83 = arith.constant 0 : i32
          %dma_wait3A_84 = tpu.memref_slice %arg11[%dma_wait3A_82, %dma_wait3A_83] : memref<10000x128xf32, #tpu.memory_space<vmem_shared>> -> memref<10000x128xf32, #tpu.memory_space<vmem_shared>>
          tpu.wait_indirect_dma semaphore(%run_scoped3A : memref<!tpu.dma_semaphore, #tpu.memory_space<semaphore_mem>>) src(%arg9 : memref<125x128xf32, #tpu.memory_space<vmem>>) dst(%dma_wait3A_84 : memref<10000x128xf32, #tpu.memory_space<vmem_shared>>)
          tpu.yield
        }) : () -> ()
        %add3A_57 = arith.constant 2 : i32
        %add3A_58 = arith.addi %mul3A_43, %add3A_57 : i32
        %lt3A = arith.constant 40 : i32
        %lt3A_59 = arith.cmpi slt, %add3A_58, %lt3A : i32
        %convert_element_type3A_60 = arith.extui %lt3A_59 : i1 to i32
        %cond3A_61 = arith.constant 0 : i32
        %cond3A_62 = arith.cmpi ne, %convert_element_type3A_60, %cond3A_61 : i32
        scf.if %cond3A_62 {
          %add3A_73 = arith.constant 2 : i32
          %add3A_74 = arith.addi %mul3A_43, %add3A_73 : i32
          %dma_start3A_75 = arith.constant 0 : i32
          %dma_start3A_76 = tpu.memref_slice %arg7[%add3A_74, %dma_start3A_75] : memref<40x125xi32, #tpu.memory_space<vmem>> -> memref<1x125xi32, #tpu.memory_space<vmem>>
          %dma_start3A_77 = tpu.memref_squeeze %dma_start3A_76 : memref<1x125xi32, #tpu.memory_space<vmem>> -> memref<125xi32, #tpu.memory_space<vmem>>
          %dma_start3A_78 = arith.constant 0 : i32
          %dma_start3A_79 = arith.constant 0 : i32
          %dma_start3A_80 = tpu.memref_slice %arg2[%dma_start3A_78, %dma_start3A_79] : memref<10000x128xf32, #tpu.memory_space<hbm>> -> memref<10000x128xf32, #tpu.memory_space<hbm>>
          tpu.enqueue_indirect_dma source(%dma_start3A_80 : memref<10000x128xf32, #tpu.memory_space<hbm>>) target(%arg9 : memref<125x128xf32, #tpu.memory_space<vmem>>) offsets(%dma_start3A_77 : memref<125xi32, #tpu.memory_space<vmem>>) semaphore(%arg12 : memref<!tpu.dma_semaphore, #tpu.memory_space<semaphore_mem>>)
        } else {
        }
        %add3A_63 = arith.constant 1 : i32
        %add3A_64 = arith.addi %mul3A_43, %add3A_63 : i32
        %dma_wait3A_65 = arith.constant 0 : i32
        %dma_wait3A_66 = tpu.memref_slice %arg7[%add3A_64, %dma_wait3A_65] : memref<40x125xi32, #tpu.memory_space<vmem>> -> memref<1x125xi32, #tpu.memory_space<vmem>>
        %dma_wait3A_67 = tpu.memref_squeeze %dma_wait3A_66 : memref<1x125xi32, #tpu.memory_space<vmem>> -> memref<125xi32, #tpu.memory_space<vmem>>
        %dma_wait3A_68 = arith.constant 0 : i32
        %dma_wait3A_69 = arith.constant 0 : i32
        %dma_wait3A_70 = tpu.memref_slice %arg2[%dma_wait3A_68, %dma_wait3A_69] : memref<10000x128xf32, #tpu.memory_space<hbm>> -> memref<10000x128xf32, #tpu.memory_space<hbm>>
        tpu.wait_indirect_dma semaphore(%arg13 : memref<!tpu.dma_semaphore, #tpu.memory_space<semaphore_mem>>) src(%dma_wait3A_70 : memref<10000x128xf32, #tpu.memory_space<hbm>>) dst(%arg10 : memref<125x128xf32, #tpu.memory_space<vmem>>)
        %add3A_71 = arith.constant 1 : i32
        %add3A_72 = arith.addi %mul3A_43, %add3A_71 : i32
        "tpu.region"() ({
          %run_scoped3A = tpu.sem_alloc : memref<!tpu.dma_semaphore, #tpu.memory_space<semaphore_mem>>
          %dma_start3A_73 = arith.constant 0 : i32
          %dma_start3A_74 = tpu.memref_slice %arg8[%add3A_72, %dma_start3A_73] : memref<40x125xi32, #tpu.memory_space<vmem>> -> memref<1x125xi32, #tpu.memory_space<vmem>>
          %dma_start3A_75 = tpu.memref_squeeze %dma_start3A_74 : memref<1x125xi32, #tpu.memory_space<vmem>> -> memref<125xi32, #tpu.memory_space<vmem>>
          %dma_start3A_76 = arith.constant 0 : i32
          %dma_start3A_77 = arith.constant 0 : i32
          %dma_start3A_78 = tpu.memref_slice %arg11[%dma_start3A_76, %dma_start3A_77] : memref<10000x128xf32, #tpu.memory_space<vmem_shared>> -> memref<10000x128xf32, #tpu.memory_space<vmem_shared>>
          tpu.enqueue_indirect_dma source(%arg10 : memref<125x128xf32, #tpu.memory_space<vmem>>) target(%dma_start3A_78 : memref<10000x128xf32, #tpu.memory_space<vmem_shared>>) offsets(%dma_start3A_75 : memref<125xi32, #tpu.memory_space<vmem>>) semaphore(%run_scoped3A : memref<!tpu.dma_semaphore, #tpu.memory_space<semaphore_mem>>) {add = true}
          %dma_wait3A_79 = arith.constant 0 : i32
          %dma_wait3A_80 = tpu.memref_slice %arg8[%add3A_72, %dma_wait3A_79] : memref<40x125xi32, #tpu.memory_space<vmem>> -> memref<1x125xi32, #tpu.memory_space<vmem>>
          %dma_wait3A_81 = tpu.memref_squeeze %dma_wait3A_80 : memref<1x125xi32, #tpu.memory_space<vmem>> -> memref<125xi32, #tpu.memory_space<vmem>>
          %dma_wait3A_82 = arith.constant 0 : i32
          %dma_wait3A_83 = arith.constant 0 : i32
          %dma_wait3A_84 = tpu.memref_slice %arg11[%dma_wait3A_82, %dma_wait3A_83] : memref<10000x128xf32, #tpu.memory_space<vmem_shared>> -> memref<10000x128xf32, #tpu.memory_space<vmem_shared>>
          tpu.wait_indirect_dma semaphore(%run_scoped3A : memref<!tpu.dma_semaphore, #tpu.memory_space<semaphore_mem>>) src(%arg10 : memref<125x128xf32, #tpu.memory_space<vmem>>) dst(%dma_wait3A_84 : memref<10000x128xf32, #tpu.memory_space<vmem_shared>>)
          tpu.yield
        }) : () -> ()
      }
      %scan3A_40 = arith.constant 20 : i32
    }
    %scan3A_14 = arith.constant 2 : i32
    %barrier3A_15 = arith.constant 0 : index
    tpu.barrier barrier_id(%barrier3A_15)
    %mul3A_16 = arith.constant 624 : i32
    %mul3A_17 = arith.muli %arg1, %mul3A_16 : i32
    %mul3A_18 = arith.constant 10000 : i32
    %mul3A_19 = arith.muli %arg0, %mul3A_18 : i32
    %mul3A_20 = arith.constant 624 : i32
    %mul3A_21 = arith.muli %arg1, %mul3A_20 : i32
    %add3A_22 = arith.addi %mul3A_19, %mul3A_21 : i32
    "tpu.region"() ({
      %run_scoped3A = tpu.sem_alloc : memref<!tpu.dma_semaphore, #tpu.memory_space<semaphore_mem>>
      %dma_start3A = arith.constant 0 : i32
      %dma_start3A_28 = tpu.memref_slice %arg6[%add3A_22, %dma_start3A] : memref<20000x128xf32, #tpu.memory_space<hbm>> -> memref<624x128xf32, #tpu.memory_space<hbm>>
      %dma_start3A_29 = arith.constant 0 : i32
      %dma_start3A_30 = tpu.memref_slice %arg11[%mul3A_17, %dma_start3A_29] : memref<10000x128xf32, #tpu.memory_space<vmem_shared>> -> memref<624x128xf32, #tpu.memory_space<vmem_shared>>
      tpu.enqueue_dma source(%dma_start3A_30 : memref<624x128xf32, #tpu.memory_space<vmem_shared>>) target(%dma_start3A_28 : memref<624x128xf32, #tpu.memory_space<hbm>>) target_semaphore(%run_scoped3A : memref<!tpu.dma_semaphore, #tpu.memory_space<semaphore_mem>>)
      %dma_wait3A = arith.constant 0 : i32
      %dma_wait3A_31 = tpu.memref_slice %arg6[%add3A_22, %dma_wait3A] : memref<20000x128xf32, #tpu.memory_space<hbm>> -> memref<624x128xf32, #tpu.memory_space<hbm>>
      %dma_wait3A_32 = arith.constant 0 : i32
      %dma_wait3A_33 = tpu.memref_slice %arg11[%mul3A_17, %dma_wait3A_32] : memref<10000x128xf32, #tpu.memory_space<vmem_shared>> -> memref<624x128xf32, #tpu.memory_space<vmem_shared>>
      tpu.wait_dma2 semaphore(%run_scoped3A : memref<!tpu.dma_semaphore, #tpu.memory_space<semaphore_mem>>) src(%dma_wait3A_33 : memref<624x128xf32, #tpu.memory_space<vmem_shared>>) dst(%dma_wait3A_31 : memref<624x128xf32, #tpu.memory_space<hbm>>)
      tpu.yield
    }) : () -> ()
    %eq3A_23 = arith.constant 0 : i32
    %eq3A_24 = arith.cmpi eq, %arg1, %eq3A_23 : i32
    %convert_element_type3A_25 = arith.extui %eq3A_24 : i1 to i32
    %cond3A_26 = arith.constant 0 : i32
    %cond3A_27 = arith.cmpi ne, %convert_element_type3A_25, %cond3A_26 : i32
    scf.if %cond3A_27 {
      %mul3A_28 = arith.constant 10000 : i32
      %mul3A_29 = arith.muli %arg0, %mul3A_28 : i32
      %add3A_30 = arith.constant 9984 : i32
      %add3A_31 = arith.addi %mul3A_29, %add3A_30 : i32
      "tpu.region"() ({
        %run_scoped3A = tpu.sem_alloc : memref<!tpu.dma_semaphore, #tpu.memory_space<semaphore_mem>>
        %dma_start3A = arith.constant 0 : i32
        %dma_start3A_32 = tpu.memref_slice %arg6[%add3A_31, %dma_start3A] : memref<20000x128xf32, #tpu.memory_space<hbm>> -> memref<16x128xf32, #tpu.memory_space<hbm>>
        %dma_start3A_33 = arith.constant 9984 : i32
        %dma_start3A_34 = arith.constant 0 : i32
        %dma_start3A_35 = tpu.memref_slice %arg11[%dma_start3A_33, %dma_start3A_34] : memref<10000x128xf32, #tpu.memory_space<vmem_shared>> -> memref<16x128xf32, #tpu.memory_space<vmem_shared>>
        tpu.enqueue_dma source(%dma_start3A_35 : memref<16x128xf32, #tpu.memory_space<vmem_shared>>) target(%dma_start3A_32 : memref<16x128xf32, #tpu.memory_space<hbm>>) target_semaphore(%run_scoped3A : memref<!tpu.dma_semaphore, #tpu.memory_space<semaphore_mem>>)
        %dma_wait3A = arith.constant 0 : i32
        %dma_wait3A_36 = tpu.memref_slice %arg6[%add3A_31, %dma_wait3A] : memref<20000x128xf32, #tpu.memory_space<hbm>> -> memref<16x128xf32, #tpu.memory_space<hbm>>
        %dma_wait3A_37 = arith.constant 9984 : i32
        %dma_wait3A_38 = arith.constant 0 : i32
        %dma_wait3A_39 = tpu.memref_slice %arg11[%dma_wait3A_37, %dma_wait3A_38] : memref<10000x128xf32, #tpu.memory_space<vmem_shared>> -> memref<16x128xf32, #tpu.memory_space<vmem_shared>>
        tpu.wait_dma2 semaphore(%run_scoped3A : memref<!tpu.dma_semaphore, #tpu.memory_space<semaphore_mem>>) src(%dma_wait3A_39 : memref<16x128xf32, #tpu.memory_space<vmem_shared>>) dst(%dma_wait3A_36 : memref<16x128xf32, #tpu.memory_space<hbm>>)
        tpu.yield
      }) : () -> ()
    } else {
    }
    return
  }
}

module attributes {stable_mosaic.version = 14 : i64} {
  func.func @_tc_mlp(%arg0: memref<20000x128xf32, #tpu.memory_space<vmem>>, %arg1: memref<128x128xf32, #tpu.memory_space<vmem>>, %arg2: memref<1x128xf32, #tpu.memory_space<vmem>>, %arg3: memref<1x128xf32, #tpu.memory_space<vmem>>, %arg4: memref<1x128xf32, #tpu.memory_space<vmem>>, %arg5: memref<128x128xf32, #tpu.memory_space<vmem>>, %arg6: memref<1x128xf32, #tpu.memory_space<vmem>>, %arg7: memref<40x128xf32, #tpu.memory_space<vmem>>, %arg8: memref<1x40xf32, #tpu.memory_space<vmem>>, %arg9: memref<10000x40xf32, #tpu.memory_space<vmem>>) attributes {dimension_semantics = [], scalar_prefetch = 0 : i64, scratch_operands = 0 : i64, tpu.core_type = #tpu.core_type<tc>} {
    %get3A = arith.constant 0 : index
    %get3A_0 = arith.constant 0 : index
    %get3A_1 = vector.load %arg0[%get3A, %get3A_0] : memref<20000x128xf32, #tpu.memory_space<vmem>>, vector<10000x128xf32>
    %get3A_2 = arith.constant 10000 : index
    %get3A_3 = arith.constant 0 : index
    %get3A_4 = vector.load %arg0[%get3A_2, %get3A_3] : memref<20000x128xf32, #tpu.memory_space<vmem>>, vector<10000x128xf32>
    %add3A = arith.addf %get3A_1, %get3A_4 : vector<10000x128xf32>
    %get3A_5 = arith.constant 0 : index
    %get3A_6 = arith.constant 0 : index
    %get3A_7 = vector.load %arg1[%get3A_5, %get3A_6] : memref<128x128xf32, #tpu.memory_space<vmem>>, vector<128x128xf32>
    %dot_general3A = arith.constant dense<0.000000e+00> : vector<10000x128xf32>
    %dot_general3A_8 = tpu.matmul %add3A, %get3A_7, %dot_general3A {dimension_numbers = #tpu.dot_dimension_numbers<[1], [1], [0], [0], [0, 0, 1, 0], [], []>, transpose_lhs_hint = false} : vector<10000x128xf32>, vector<128x128xf32>, vector<10000x128xf32> -> vector<10000x128xf32>
    %get3A_9 = arith.constant 0 : index
    %get3A_10 = arith.constant 0 : index
    %get3A_11 = vector.load %arg2[%get3A_9, %get3A_10] : memref<1x128xf32, #tpu.memory_space<vmem>>, vector<1x128xf32>
    %add3A_12 = vector.broadcast %get3A_11 : vector<1x128xf32> to vector<10000x128xf32>
    %add3A_13 = arith.addf %dot_general3A_8, %add3A_12 : vector<10000x128xf32>
    %max3A = arith.constant 0.000000e+00 : f32
    %max3A_14 = vector.broadcast %max3A : f32 to vector<10000x128xf32>
    %max3A_15 = arith.maximumf %add3A_13, %max3A_14 : vector<10000x128xf32>
    %reduce_sum3A = arith.constant dense<0.000000e+00> : vector<128xf32>
    %reduce_sum3A_16 = vector.multi_reduction <add>, %max3A_15, %reduce_sum3A [0] : vector<10000x128xf32> to vector<128xf32>
    %broadcast_in_dim3A = vector.shape_cast %reduce_sum3A_16 : vector<128xf32> to vector<1x128xf32>
    %div3A = arith.constant 1.000000e+04 : f32
    %div3A_17 = vector.broadcast %div3A : f32 to vector<1x128xf32>
    %div3A_18 = arith.divf %broadcast_in_dim3A, %div3A_17 : vector<1x128xf32>
    %sub3A = vector.broadcast %div3A_18 : vector<1x128xf32> to vector<10000x128xf32>
    %sub3A_19 = arith.subf %max3A_15, %sub3A : vector<10000x128xf32>
    %integer_pow3A = arith.mulf %sub3A_19, %sub3A_19 : vector<10000x128xf32>
    %reduce_sum3A_20 = arith.constant dense<0.000000e+00> : vector<128xf32>
    %reduce_sum3A_21 = vector.multi_reduction <add>, %integer_pow3A, %reduce_sum3A_20 [0] : vector<10000x128xf32> to vector<128xf32>
    %broadcast_in_dim3A_22 = vector.shape_cast %reduce_sum3A_21 : vector<128xf32> to vector<1x128xf32>
    %div3A_23 = arith.constant 1.000000e+04 : f32
    %div3A_24 = vector.broadcast %div3A_23 : f32 to vector<1x128xf32>
    %div3A_25 = arith.divf %broadcast_in_dim3A_22, %div3A_24 : vector<1x128xf32>
    %sub3A_26 = vector.broadcast %div3A_18 : vector<1x128xf32> to vector<10000x128xf32>
    %sub3A_27 = arith.subf %max3A_15, %sub3A_26 : vector<10000x128xf32>
    %get3A_28 = arith.constant 0 : index
    %get3A_29 = arith.constant 0 : index
    %get3A_30 = vector.load %arg3[%get3A_28, %get3A_29] : memref<1x128xf32, #tpu.memory_space<vmem>>, vector<1x128xf32>
    %add3A_31 = arith.constant 9.99999974E-6 : f32
    %add3A_32 = vector.broadcast %add3A_31 : f32 to vector<1x128xf32>
    %add3A_33 = arith.addf %div3A_25, %add3A_32 : vector<1x128xf32>
    %rsqrt3A = math.rsqrt %add3A_33 : vector<1x128xf32>
    %mul3A = arith.mulf %get3A_30, %rsqrt3A : vector<1x128xf32>
    %mul3A_34 = vector.broadcast %mul3A : vector<1x128xf32> to vector<10000x128xf32>
    %mul3A_35 = arith.mulf %sub3A_27, %mul3A_34 : vector<10000x128xf32>
    %get3A_36 = arith.constant 0 : index
    %get3A_37 = arith.constant 0 : index
    %get3A_38 = vector.load %arg4[%get3A_36, %get3A_37] : memref<1x128xf32, #tpu.memory_space<vmem>>, vector<1x128xf32>
    %add3A_39 = vector.broadcast %get3A_38 : vector<1x128xf32> to vector<10000x128xf32>
    %add3A_40 = arith.addf %mul3A_35, %add3A_39 : vector<10000x128xf32>
    %get3A_41 = arith.constant 0 : index
    %get3A_42 = arith.constant 0 : index
    %get3A_43 = vector.load %arg5[%get3A_41, %get3A_42] : memref<128x128xf32, #tpu.memory_space<vmem>>, vector<128x128xf32>
    %dot_general3A_44 = arith.constant dense<0.000000e+00> : vector<10000x128xf32>
    %dot_general3A_45 = tpu.matmul %add3A_40, %get3A_43, %dot_general3A_44 {dimension_numbers = #tpu.dot_dimension_numbers<[1], [1], [0], [0], [0, 0, 1, 0], [], []>, transpose_lhs_hint = false} : vector<10000x128xf32>, vector<128x128xf32>, vector<10000x128xf32> -> vector<10000x128xf32>
    %get3A_46 = arith.constant 0 : index
    %get3A_47 = arith.constant 0 : index
    %get3A_48 = vector.load %arg6[%get3A_46, %get3A_47] : memref<1x128xf32, #tpu.memory_space<vmem>>, vector<1x128xf32>
    %add3A_49 = vector.broadcast %get3A_48 : vector<1x128xf32> to vector<10000x128xf32>
    %add3A_50 = arith.addf %dot_general3A_45, %add3A_49 : vector<10000x128xf32>
    %get3A_51 = arith.constant 0 : index
    %get3A_52 = arith.constant 0 : index
    %get3A_53 = vector.load %arg7[%get3A_51, %get3A_52] : memref<40x128xf32, #tpu.memory_space<vmem>>, vector<40x128xf32>
    %dot_general3A_54 = arith.constant dense<0.000000e+00> : vector<10000x40xf32>
    %dot_general3A_55 = tpu.matmul %add3A_50, %get3A_53, %dot_general3A_54 {dimension_numbers = #tpu.dot_dimension_numbers<[1], [1], [0], [0], [0, 0, 1, 0], [], []>, transpose_lhs_hint = false} : vector<10000x128xf32>, vector<40x128xf32>, vector<10000x40xf32> -> vector<10000x40xf32>
    %get3A_56 = arith.constant 0 : index
    %get3A_57 = arith.constant 0 : index
    %get3A_58 = vector.load %arg8[%get3A_56, %get3A_57] : memref<1x40xf32, #tpu.memory_space<vmem>>, vector<1x40xf32>
    %add3A_59 = vector.broadcast %get3A_58 : vector<1x40xf32> to vector<10000x40xf32>
    %add3A_60 = arith.addf %dot_general3A_55, %add3A_59 : vector<10000x40xf32>
    %swap3A = arith.constant 0 : index
    %swap3A_61 = arith.constant 0 : index
    %swap3A_62 = vector.load %arg9[%swap3A, %swap3A_61] : memref<10000x40xf32, #tpu.memory_space<vmem>>, vector<10000x40xf32>
    tpu.vector_store %arg9[%swap3A, %swap3A_61], %add3A_60 {strides = array<i32>} : memref<10000x40xf32, #tpu.memory_space<vmem>>, vector<10000x40xf32>,
    return
  }
}

</mosaic_0001>

<sc_bundles>
// kernel: kernel.4.cloned.1.call-start
scs
__scs_entry_jumppad:
0x0: {  	(pc) =	sbr.rel $0x88, $3  }
0x1: {  	(tag) =	ssettag $0x0;
	lr =	simm.s32 $0x1  }
0x2: {  	[smem:$0x3F97] =	sst lr;
	_ =	strace $0xD0000000  }
0x3: {  	_ = 	snop  }
0x4: {  	_ = 	snop  }
0x5: {  	_ = 	snop  }
0x6: {  	_ = 	snop  }
0x7: {  	_ = 	snop  }
__scs_overlays_trampoline_lowered:
0x8: {  	[smem:$0x3FA6] =	sst s0  }
0x9: {  	[smem:$0x3FA7] =	sst s1  }
0xa: {  	[smem:$0x3FA8] =	sst s2  }
0xb: {  	[smem:$0x3FA9] =	sst s3  }
0xc: {  	[smem:$0x3FAA] =	sst s4  }
0xd: {  	[smem:$0x3FAB] =	sst s5  }
0xe: {  	[smem:$0x3FAC] =	sst s6  }
0xf: {  	[smem:$0x3FAD] =	sst s7  }
0x10: {  	[smem:$0x3FAE] =	sst s8  }
0x11: {  	[smem:$0x3FAF] =	sst s9;
	s0 =	simm.s32 @!p0 $0x0  }
0x12: {  	s1 =	sld [smem:$0x3F95];
	s0 =	simm.s32 @p0 $0x1  }
0x13: {  	[smem:$0x3FB0] =	sst s0;
	s0 =	simm.s32 @!p1 $0x0  }
0x14: {  	s2 =	sld [smem:$0x3F94];
	s0 =	simm.s32 @p1 $0x1  }
0x15: {  	[smem:$0x3FB1] =	sst s0;
	s0 =	simm.s32 @!p2 $0x0  }
0x16: {  	s3 =	sld [smem:$0x3FDB];
	s0 =	simm.s32 @p2 $0x1  }
0x17: {  	s4 =	simm.s32 $0x1BF5;
	[smem:$0x3FB3] =	sst s0  }
0x18: {  	s0 =	sld [smem:$0x3F96];
	_ =	swait.ge [sflag:s4], $0x0  }
0x19: {  	s7 =	sld [smem:$0x3F97]  }
0x1a: {  	s8 =	sadd.s32 $0xFFFFE003, lr  }
0x1b: {  	s9 =	sadd.s32 $0xFFFFFEF7, lr;
	s5 =	simm.s32 $0xFFFFFFFF;
	p2 =	slt.u32 s8, $0xFFFFF086  }
0x1c: {  	p1 =	slt.u32 s9, $0xF7A;
	s5 =	simm.s32 @!p2 $0x0  }
0x1d: {  	s5 =	simm.s32 @p1 $0x1;
	p0 =	seq.s32 s7, s2  }
0x1e: {  	s7 =	smul.u32 @!p0 $0xF7A, s2;
	p2 =	seq.s32 @!p0 s5, $0x0  }
0x1f: {  	s9 =	smul.u32 $0xF7A, s1;
	s8 =	simm.s32 @!p0 $0x1BF5;
	p2 =	por !p2, p0  }
0x20: {  	[sflag:s8] =	ssyncset.s32 @!p0 $0xFFFFF086;
	s6 =	sadd.s32 @!p0 s3, s7;
	s7 =	simm.s32 @!p0 $0x108  }
0x21: {  	s3 =	sadd.s32 s3, s9;
	s6 =	sadd.s32 @!p0 $0x88, s6;
	s7 =	simm.s32 @p2 $0x1082  }
0x22: {  	[simem:s7], [sflag:s8] =	dma.local @!p0 [hbm:s6], $0xF7A  }
0x23: {  	s9 =	sor.u32 $0xD0000000, s2;
	s6 =	simm.s32 $0x108;
	_ =	swait.ge @!p0 [sflag:s8], $0x0  }
0x24: {  	s3 =	sadd.s32 $0x88, s3;
	s6 =	simm.s32 @!p1 $0x1082;
	[sflag:s4] =	ssyncset.s32 $0xFFFFF086  }
0x25: {  	[simem:s6], [sflag:s4] =	dma.local [hbm:s3], $0xF7A  }
0x26: {  	[smem:$0x3F97] =	sst s1;
	(tag) =	ssettag s2;
	_ =	strace s9  }
0x27: {  	s1 =	sld [smem:$0x3FA7]  }
0x28: {  	s2 =	sld [smem:$0x3FA8]  }
0x29: {  	s4 =	sld [smem:$0x3FAA]  }
0x2a: {  	p0 =	seq.s32 s5, $0x0;
	s5 =	sld [smem:$0x3FAB]  }
0x2b: {  	s6 =	sld [smem:$0x3FAC]  }
0x2c: {  	s7 =	sld [smem:$0x3FAD]  }
0x2d: {  	s3 =	simm.s32 $0x108;
	s8 =	sld [smem:$0x3FAE]  }
0x2e: {  	s3 =	simm.s32 @!p0 $0x1082;
	s9 =	sld [smem:$0x3FAF]  }
0x2f: {  	lr =	sadd.s32 s0, s3;
	s0 =	sld [smem:$0x3FA6]  }
0x30: {  	s3 =	sld [smem:$0x3FA9]  }
0x31: {  	[smem:$0x3FB2] =	sst s10  }
0x32: {  	s10 =	sld [smem:$0x3FB0];
	_ =	sdelay $0x3  }
0x33: {  	p0 =	seq.s32 s10, $0x1;
	s10 =	sld [smem:$0x3FB2];
	_ =	sdelay $0x3  }
0x34: {  	[smem:$0x3FB2] =	sst s10  }
0x35: {  	s10 =	sld [smem:$0x3FB1];
	_ =	sdelay $0x3  }
0x36: {  	p1 =	seq.s32 s10, $0x1;
	s10 =	sld [smem:$0x3FB2];
	_ =	sdelay $0x3  }
0x37: {  	[smem:$0x3FB2] =	sst s10  }
0x38: {  	s10 =	sld [smem:$0x3FB3]  }
0x39: {  	_ = 	snop;
	(pc) =	sbr.ind lr, $3  }
0x3a: {  	_ = 	snop  }
0x3b: {  	_ = 	snop  }
0x3c: {  	p2 =	seq.s32 s10, $0x1;
	s10 =	sld [smem:$0x3FB2]  }
0x3d: {  	_ =	shalt  }
0x3e: {  	_ =	shalt  }
0x3f: {  	_ =	shalt  }
0x40: {  	_ =	shalt  }
0x41: {  	_ =	shalt  }
0x42: {  	_ =	shalt  }
0x43: {  	_ =	shalt  }
0x44: {  	_ =	shalt  }
0x45: {  	_ =	shalt  }
0x46: {  	_ =	shalt  }
0x47: {  	_ =	shalt  }
0x48: {  	_ =	shalt  }
0x49: {  	_ =	shalt  }
0x4a: {  	_ =	shalt  }
0x4b: {  	_ =	shalt  }
0x4c: {  	_ =	shalt  }
0x4d: {  	_ =	shalt  }
0x4e: {  	_ =	shalt  }
0x4f: {  	_ =	shalt  }
0x50: {  	_ =	shalt  }
0x51: {  	_ =	shalt  }
0x52: {  	_ =	shalt  }
0x53: {  	_ =	shalt  }
0x54: {  	_ =	shalt  }
0x55: {  	_ =	shalt  }
0x56: {  	_ =	shalt  }
0x57: {  	_ =	shalt  }
0x58: {  	_ =	shalt  }
0x59: {  	_ =	shalt  }
0x5a: {  	_ =	shalt  }
0x5b: {  	_ =	shalt  }
0x5c: {  	_ =	shalt  }
0x5d: {  	_ =	shalt  }
0x5e: {  	_ =	shalt  }
0x5f: {  	_ =	shalt  }
0x60: {  	_ =	shalt  }
0x61: {  	_ =	shalt  }
0x62: {  	_ =	shalt  }
0x63: {  	_ =	shalt  }
0x64: {  	_ =	shalt  }
0x65: {  	_ =	shalt  }
0x66: {  	_ =	shalt  }
0x67: {  	_ =	shalt  }
0x68: {  	_ =	shalt  }
0x69: {  	_ =	shalt  }
0x6a: {  	_ =	shalt  }
0x6b: {  	_ =	shalt  }
0x6c: {  	_ =	shalt  }
0x6d: {  	_ =	shalt  }
0x6e: {  	_ =	shalt  }
0x6f: {  	_ =	shalt  }
0x70: {  	_ =	shalt  }
0x71: {  	_ =	shalt  }
0x72: {  	_ =	shalt  }
0x73: {  	_ =	shalt  }
0x74: {  	_ =	shalt  }
0x75: {  	_ =	shalt  }
0x76: {  	_ =	shalt  }
0x77: {  	_ =	shalt  }
0x78: {  	_ =	shalt  }
0x79: {  	_ =	shalt  }
0x7a: {  	_ =	shalt  }
0x7b: {  	_ =	shalt  }
0x7c: {  	_ =	shalt  }
0x7d: {  	_ =	shalt  }
0x7e: {  	_ =	shalt  }
0x7f: {  	_ =	shalt  }
0x80: {  	_ =	shalt  }
0x81: {  	_ =	shalt  }
0x82: {  	_ =	shalt  }
0x83: {  	_ =	shalt  }
0x84: {  	_ =	shalt  }
0x85: {  	_ =	shalt  }
0x86: {  	_ =	shalt  }
0x87: {  	_ =	shalt  }
.Lfunc_end0:
.L_simem_size_0:
called_computation_lowered:
.L_overlay_start_0:
0x88: {  	s2 =	sld [smem:$0x3FD9]  }
0x89: {  	s3 =	sld [smem:$0x3FFE];
	_ =	sdelay $0x1  }
0x8a: {  	s1 =	srdreg.scid  }
0x8b: {  	s0 =	sand.u32 $0x1, s1  }
0x8c: {  	s17 =	sshll.u32 s0, $0xA;
	s2 =	sadd.s32 s3, s2  }
0x8d: {  	s2 =	sadd.s32 s2, s17  }
0x8e: {  	[smem:$0x3FBE] =	sst s2  }
0x8f: {  	_ = 	snop  }
0x90: {  	s2 =	sld [smem:$0x3FC9]  }
0x91: {  	s18 =	sld [smem:$0x3FD0];
	(tm) =	ssettm $0x1  }
0x92: {  	s4 =	sld [smem:$0x3FFB];
	_ =	sdelay $0x3  }
0x93: {  	_ =	strace s4  }
0x94: {  	s4 =	sld [smem:$0x3FFC];
	_ =	sdelay $0x3  }
0x95: {  	_ =	strace s4  }
0x96: {  	s4 =	sld [smem:$0x3FFD];
	_ =	sdelay $0x3  }
0x97: {  	_ =	strace s4  }
0x98: {  	_ =	strace $0x8FFFFFFF  }
0x99: {  	s19 =	sld [smem:$0x3FDB];
	_ =	sdelay $0x1  }
0x9a: {  	s5 =	simm.s32 $_scs_section_size  }
0x9b: {  	s6 =	simm.s32 $_size__tile_overlayer_lowered;
	s7 =	simm.s32 $_tile_overlayer_lowered  }
0x9c: {  	s22 =	simm.s32 $0x1BFF;
	s21 =	sshll.u32 s7, $0x1;
	s4 =	sadd.s32 s5, s19  }
0x9d: {  	s8 =	simm.s32 $0x0;
	s20 =	sshll.u32 s6, $0x1;
	s6 =	sadd.s32 s21, s4  }
0x9e: {  	[timem:s8], [sflag:s22] =	dma.local [hbm:s6], s20  }
0x9f: {  	_ =	swait.ge [sflag:s22], s20  }
0xa0: {  	s5 =	ssub.s32 $0x0, s20;
	[sflag:s22] =	ssyncset.done $0x0  }
0xa1: {  	[sflag:s22] =	ssyncadd.s32 s5;
	_ =	sdelay $0x1  }
0xa2: {  	s23 =	simm.s32 $0x1B8B  }
0xa3: {  	_ =	swait.ge [sflag:s23], $0x1  }
0xa4: {  	[sflag:s23] =	ssyncset.done $0x0  }
0xa5: {  	s25 =	simm.s32 $0x1B8E;
	s24 =	sld [smem:$0x3FFE];
	[sflag:s23] =	ssyncadd.s32 $0xFFFFFFFF  }
0xa6: {  	s26 =	simm.s32 $execute0_lowered;
	[smem:$0x3FD2] =	sst s25  }
0xa7: {  	s6 =	sshll.u32 s26, $0x1;
	_ =	strace $0x80000046;
	[dreg:$0x1] =	wrdreg $0xFFFFFFFF  }
0xa8: {  	s28 =	simm.s32 $_size_execute0_lowered;
	s4 =	sadd.s32 s4, s6;
	[dreg:$0x0] =	wrdreg $0x0  }
0xa9: {  	s6 =	sshll.u32 s28, $0x1;
	[dreg:$0x2] =	wrdreg s4  }
0xaa: {  	[dreg:$0x3] =	wrdreg s6  }
0xab: {  	[dreg:$0x4] =	wrdreg $0xC0  }
0xac: {  	_ =	task [dreg:s8], $0x5FFFF  }
0xad: {  	[dreg:$0x1] =	wrdreg $0xFFFFFFFF  }
0xae: {  	[dreg:$0x0] =	wrdreg $0x60  }
0xaf: {  	[dreg:$0x2] =	wrdreg s2  }
0xb0: {  	[dreg:$0x3] =	wrdreg s18  }
0xb1: {  	[dreg:$0x4] =	wrdreg s24  }
0xb2: {  	[dreg:$0x5] =	wrdreg $0xA8000  }
0xb3: {  	[dreg:$0x6] =	wrdreg $0x9  }
0xb4: {  	_ =	task.clear_ibuf [dreg:s8], $0x7FFFF;
	_ =	strace $0x90000046  }
0xb5: {  	s29 =	simm.s32 $0x9;
	_ =	strace $0x80000048  }
0xb6: {  	_ =	swait.ge [sflag:s29], $0x1  }
0xb7: {  	[sflag:s29] =	ssyncadd.s32 $0xFFFFFFFF  }
0xb8: {  	_ =	strace $0x90000048  }
0xb9: {  	_ =	sfence  }
0xba: {  	s30 =	sld [smem:$0x0];
	_ =	sdelay $0x2  }
0xbb: {  	s31 =	sshll.u32 s1, $0xD;
	s1 =	sshrl.u32 s1, $0x2  }
0xbc: {  	s3 =	sand.u32 $0x4000, s31;
	s1 =	sadd.s32 s1, s30  }
0xbd: {  	s0 =	sor.u32 s3, s0;
	s1 =	sshll.u32 s1, $0x11  }
0xbe: {  	s0 =	sor.u32 s1, s0  }
0xbf: {  	s0 =	sadd.s32 $0x8F2B, s0  }
0xc0: {  	[sflag:s0] =	ssyncadd.remote.s32 $0x1  }
0xc1: {  	_ =	sfence.sel $0xFFFF  }
0xc2: {  	[dreg:$0x0] =	wrdreg $0xFFFFFFFF;
	(pc) =	sbr.abs _section_cstart, $3  }
0xc3: {  	[dreg:$0x1] =	wrdreg $0xFFFFFFFF  }
0xc4: {  	_ =	task.clear_ibuf [dreg:s8], $0x2FFFF;
	_ =	strace $0x9FFFFFFF  }
0xc5: {  	(tm) =	ssettm $0x7FFFFFFF  }
tec
execute0_lowered:
.L_overlay_start_1:
0x0: {  	(tag) =	ssettag $0x1  }
0x1: {  	s1 =	rddreg [dreg:$0x0]  }
0x2: {  	s13 =	rddreg [dreg:$0x1]  }
0x3: {  	s5 =	rddreg [dreg:$0x2]  }
0x4: {  	s2 =	rddreg [dreg:$0x3];
	s3 =	simm.s32 $0x0  }
0x5: {  	s6 =	srdreg.scid;
	s25 =	stileid.u32;
	s18 =	simm.s32 $0x3  }
0x6: {  	s28 =	simm.s32 $0x2700;
	s29 =	simm.s32 $0x2780;
	[smem:$0x7FF] =	sst s3  }
0x7: {  	s14 =	sadd.s32 $0xE00, s5;
	s4 =	sadd.s32 $0xAE00, s5;
	s6 =	sand.u32 $0x1, s6  }
0x8: {  	s9 =	sadd.s32 $0x32000, s5;
	s7 =	smul.u32 $0x2700, s25;
	s10 =	sshll.u32 s25, $0x1  }
0x9: {  	s11 =	smul.u32 $0x4E000, s25;
	p1 =	sne.s32 s25, $0x0;
	p2 =	seq.s32 s25, $0x0  }
0xa: {  	_ =	strace $0x80000047;
	s20 =	ssub.s32 $0x2, s6;
	s22 =	smul.u32 $0x27100, s6  }
0xb: {  	s21 =	sor.u32 s6, s10;
	p0 =	seq.s32 s6, $0x1;
	s24 =	smul.u32 $0x138800, s6  }
0xc: {  	s6 =	sadd.s32 $0x138000, s2;
	s8 =	sshrl.u32 s20, $0x1;
	s23 =	sshrl.u32 s11, $0x2  }
0xd: {  	s0 =	sadd.s32 s1, s7;
	s15 =	smul.u32 $0x2800, s21;
	s31 =	sshrl.u32 s6, $0x3  }
0xe: {  	s21 =	simm.s32 $0x7D;
	s12 =	ssub.s32 s20, s8;
	s17 =	sadd.s32 s23, s2  }
0xf: {  	[dreg:$0x5] =	wrdreg s0;
	s26 =	sadd.s32 s7, s22;
	s30 =	sshrl.u32 s24, $0x3  }
0x10: {  	s7 =	sadd.s32 s4, s7;
	[dreg:$0x6] =	wrdreg s31;
	s20 =	simm.s32 $0x1400  }
0x11: {  	s22 =	simm.s32 $0x2800;
	s23 =	simm.s32 $0x6800;
	s24 =	simm.s32 $0x1  }
0x12: {  	s8 =	sadd.s32 s9, s26;
	s9 =	sadd.s32 s9, s30;
	s10 =	smax.u32 s12, $0x1  }
0x13: {  	s15 =	sshrl.u32 s15, $0x3;
	s17 =	sshrl.u32 s17, $0x3;
	s26 =	simm.s32 $0x1380  }
0x14: {  	s11 =	sadd.s32 s13, s15;
	s12 =	sadd.s32 s14, s15;
	s15 =	sadd.s32 $0x280, s15  }
0x15: {  	s13 =	sadd.s32 s13, s15;
	s14 =	sadd.s32 s14, s15;
	s15 =	sshll.u32 s25, $0x6  }
0x16: {  	s9 =	sadd.s32 $0x27000, s9;
	s25 =	simm.s32 $0x2;
	s16 =	sor.u32 $0x1C03, s15  }
.LBB2_1:
.Ltmp0:
0x17: {  	(pc) =	sbr.rel @!p0 .LBB2_2-.Ltmp0, $1  }
0x18: {  	_ =	sdelay $0x3  }
0x19: {  	[spmem:s17], [sflag:s16] =	dma.local [hbm:s7], $0x2700  }
.Ltmp1:
0x1a: {  	_ = 	snop;
	(pc) =	sbr.rel @p1 .LBB2_5-.Ltmp1, $4  }
.Ltmp2:
0x1b: {  	_ = 	snop;
	(pc) =	sbr.rel @!p1 .LBB2_4-.Ltmp2, $4  }
0x1c: {  	_ =	swait.ge [sflag:s18], $0x2700  }
0x1d: {  	[sflag:s18] =	ssyncset.done $0x0  }
0x1e: {  	s31 =	smov.u32 s4;
	s30 =	smov.u32 s16;
	[sflag:s18] =	ssyncadd.s32 $0xFFFFD900  }
0x1f: {  	_ = 	snop  }
.LBB2_2:
.Ltmp3:
0x20: {  	s30 =	sor.u32 $0x1C03, s15;
	s0 =	rddreg [dreg:$0x5];
	(pc) =	sbr.rel @!p2 .LBB2_5-.Ltmp3, $4  }
0x21: {  	[spmem:s17], [sflag:s30] =	dma.local [hbm:s0], $0x2700  }
0x22: {  	_ =	swait.ge [sflag:s18], $0x2700  }
0x23: {  	[sflag:s18] =	ssyncset.done $0x0  }
0x24: {  	s31 =	smov.u32 s1;
	[sflag:s18] =	ssyncadd.s32 $0xFFFFD900  }
.LBB2_4:
0x25: {  	s31 =	sadd.s32 $0x27000, s31;
	s0 =	rddreg [dreg:$0x6]  }
0x26: {  	[spmem:s0], [sflag:s30] =	dma.local [hbm:s31], $0x100  }
0x27: {  	_ =	swait.ge [sflag:s18], $0x100  }
0x28: {  	[sflag:s18] =	ssyncset.done $0x0  }
0x29: {  	[sflag:s18] =	ssyncadd.s32 $0xFFFFFF00  }
.LBB2_5:
0x2a: {  	[bflag:$0x0] =	sbarrier.arrive $0xFFFF;
	s30 =	simm.s32 $0x0  }
0x2b: {  	[tilespmem:s30], [sflag:$0x3] =	stream.linear.gather [hbm4b:s11+s30], $0x1400, $0x38;
	[tilespmem:$0x1E080] =	vst v63  }
0x2c: {  	_ =	swait.ge [sflag:s18], $0x1400  }
0x2d: {  	[sflag:s18] =	ssyncset.done $0x0  }
0x2e: {  	[sflag:s18] =	ssyncadd.s32 $0xFFFFEC00  }
0x2f: {  	[tilespmem:s20], [sflag:$0x3] =	stream.linear.gather [hbm4b:s12+s30], $0x1400, $0x38;
	[tilespmem:$0x1E080] =	vst v63  }
0x30: {  	_ =	swait.ge [sflag:s18], $0x1400  }
0x31: {  	[sflag:s18] =	ssyncset.done $0x0  }
0x32: {  	[sflag:s18] =	ssyncadd.s32 $0xFFFFEC00  }
0x33: {  	[tilespmem:s22], [sflag:$0x1] =	stream.indirect.gather [hbm4b:s1+s21], $0x80, s30, s21, $0xb8;
	[tilespmem:$0x1E080] =	vst v63  }
0x34: {  	s30 =	simm.s32 $0x80  }
0x35: {  	[tilespmem:s23], [sflag:$0x2] =	stream.indirect.gather [hbm4b:s1+s21], $0x80, s30, s21, $0xb8;
	[tilespmem:$0x1E080] =	vst v63  }
0x36: {  	_ =	swait.ge [sflag:s24], $0x3E80  }
0x37: {  	[sflag:s24] =	ssyncset.done $0x0  }
0x38: {  	s30 =	simm.s32 $0x1400;
	[sflag:s24] =	ssyncadd.s32 $0xFFFFC180  }
0x39: {  	[spmem:s2] =	stream.indirect.scatter.add.f32 [tilespmem:s22], [sflag:$0x3], $0x80, s30, s21, $0xb8;
	[tilespmem:$0x1E080] =	vst v63  }
0x3a: {  	_ =	swait.ge [sflag:s18], $0x3E80  }
0x3b: {  	[sflag:s18] =	ssyncset.done $0x0  }
0x3c: {  	s30 =	simm.s32 $0x100;
	[sflag:s18] =	ssyncadd.s32 $0xFFFFC180  }
0x3d: {  	[tilespmem:s22], [sflag:$0x1] =	stream.indirect.gather [hbm4b:s1+s21], $0x80, s30, s21, $0xb8;
	[tilespmem:$0x1E080] =	vst v63  }
0x3e: {  	_ =	swait.ge [sflag:s25], $0x3E80  }
0x3f: {  	[sflag:s25] =	ssyncset.done $0x0  }
0x40: {  	s30 =	simm.s32 $0x1480;
	[sflag:s25] =	ssyncadd.s32 $0xFFFFC180  }
0x41: {  	[spmem:s2] =	stream.indirect.scatter.add.f32 [tilespmem:s23], [sflag:$0x3], $0x80, s30, s21, $0xb8;
	[tilespmem:$0x1E080] =	vst v63  }
0x42: {  	_ =	swait.ge [sflag:s18], $0x3E80  }
0x43: {  	s31 =	simm.s32 $0x800;
	s30 =	simm.s32 $0x100;
	[sflag:s18] =	ssyncset.done $0x0  }
.LBB2_6:
0x44: {  	s0 =	sadd.s32 $0x80, s30  }
0x45: {  	[sflag:s18] =	ssyncadd.s32 $0xFFFFC180;
	s19 =	smov.u32 s31;
	s5 =	sadd.s32 $0x400, s31  }
0x46: {  	[tilespmem:s23], [sflag:$0x2] =	stream.indirect.gather [hbm4b:s1+s21], $0x80, s0, s21, $0xb8;
	[tilespmem:$0x1E080] =	vst v63  }
0x47: {  	p3 =	sne.s32 s31, $0x4800;
	_ =	swait.ge [sflag:s24], $0x3E80  }
0x48: {  	[sflag:s24] =	ssyncset.done $0x0  }
0x49: {  	s0 =	sadd.s32 $0x1400, s30;
	[sflag:s24] =	ssyncadd.s32 $0xFFFFC180  }
0x4a: {  	[spmem:s2] =	stream.indirect.scatter.add.f32 [tilespmem:s22], [sflag:$0x3], $0x80, s0, s21, $0xb8;
	[tilespmem:$0x1E080] =	vst v63  }
0x4b: {  	_ =	swait.ge [sflag:s18], $0x3E80  }
0x4c: {  	[sflag:s18] =	ssyncset.done $0x0  }
0x4d: {  	s0 =	sadd.s32 $0x100, s30;
	[sflag:s18] =	ssyncadd.s32 $0xFFFFC180  }
0x4e: {  	[tilespmem:s22], [sflag:$0x1] =	stream.indirect.gather [hbm4b:s1+s21], $0x80, s0, s21, $0xb8;
	[tilespmem:$0x1E080] =	vst v63  }
0x4f: {  	_ =	swait.ge [sflag:s25], $0x3E80  }
.Ltmp4:
0x50: {  	[sflag:s25] =	ssyncset.done $0x0;
	(pc) =	sbr.rel @p3 .LBB2_6-.Ltmp4, $4  }
0x51: {  	s0 =	sadd.s32 $0x1480, s30;
	[sflag:s25] =	ssyncadd.s32 $0xFFFFC180  }
0x52: {  	[spmem:s2] =	stream.indirect.scatter.add.f32 [tilespmem:s23], [sflag:$0x3], $0x80, s0, s21, $0xb8;
	[tilespmem:$0x1E080] =	vst v63  }
0x53: {  	_ =	swait.ge [sflag:s18], $0x3E80  }
0x54: {  	s31 =	smov.u32 s5;
	s30 =	sshra.s32 s19, $0x2;
	[sflag:s18] =	ssyncset.done $0x0  }
0x55: {  	s0 =	sadd.s32 $0x80, s30;
	[sflag:s18] =	ssyncadd.s32 $0xFFFFC180  }
0x56: {  	[tilespmem:s23], [sflag:$0x2] =	stream.indirect.gather [hbm4b:s1+s21], $0x80, s0, s21, $0xb8;
	[tilespmem:$0x1E080] =	vst v63  }
0x57: {  	_ =	swait.ge [sflag:s24], $0x3E80  }
0x58: {  	[sflag:s24] =	ssyncset.done $0x0  }
0x59: {  	s5 =	sadd.s32 $0x1400, s30;
	[sflag:s24] =	ssyncadd.s32 $0xFFFFC180  }
0x5a: {  	[spmem:s2] =	stream.indirect.scatter.add.f32 [tilespmem:s22], [sflag:$0x3], $0x80, s5, s21, $0xb8;
	[tilespmem:$0x1E080] =	vst v63  }
0x5b: {  	_ =	swait.ge [sflag:s18], $0x3E80  }
0x5c: {  	[sflag:s18] =	ssyncset.done $0x0  }
0x5d: {  	s19 =	sadd.s32 $0x100, s30;
	[sflag:s18] =	ssyncadd.s32 $0xFFFFC180  }
0x5e: {  	[tilespmem:s22], [sflag:$0x1] =	stream.indirect.gather [hbm4b:s1+s21], $0x80, s19, s21, $0xb8;
	[tilespmem:$0x1E080] =	vst v63  }
0x5f: {  	_ =	swait.ge [sflag:s25], $0x3E80  }
0x60: {  	[sflag:s25] =	ssyncset.done $0x0  }
0x61: {  	s5 =	sadd.s32 $0x1480, s30;
	[sflag:s25] =	ssyncadd.s32 $0xFFFFC180  }
0x62: {  	[spmem:s2] =	stream.indirect.scatter.add.f32 [tilespmem:s23], [sflag:$0x3], $0x80, s5, s21, $0xb8;
	[tilespmem:$0x1E080] =	vst v63  }
0x63: {  	_ =	swait.ge [sflag:s18], $0x3E80  }
0x64: {  	[sflag:s18] =	ssyncset.done $0x0  }
0x65: {  	[sflag:s18] =	ssyncadd.s32 $0xFFFFC180  }
0x66: {  	[tilespmem:s23], [sflag:$0x2] =	stream.indirect.gather [hbm4b:s1+s21], $0x80, s26, s21, $0xb8;
	[tilespmem:$0x1E080] =	vst v63  }
0x67: {  	_ =	swait.ge [sflag:s24], $0x3E80  }
0x68: {  	[sflag:s24] =	ssyncset.done $0x0  }
0x69: {  	[sflag:s24] =	ssyncadd.s32 $0xFFFFC180  }
0x6a: {  	[spmem:s2] =	stream.indirect.scatter.add.f32 [tilespmem:s22], [sflag:$0x3], $0x80, s28, s21, $0xb8;
	[tilespmem:$0x1E080] =	vst v63  }
0x6b: {  	_ =	swait.ge [sflag:s18], $0x3E80  }
0x6c: {  	[sflag:s18] =	ssyncset.done $0x0  }
0x6d: {  	[sflag:s18] =	ssyncadd.s32 $0xFFFFC180  }
0x6e: {  	_ =	swait.ge [sflag:s25], $0x3E80  }
0x6f: {  	[sflag:s25] =	ssyncset.done $0x0  }
0x70: {  	[sflag:s25] =	ssyncadd.s32 $0xFFFFC180  }
0x71: {  	[spmem:s2] =	stream.indirect.scatter.add.f32 [tilespmem:s23], [sflag:$0x3], $0x80, s29, s21, $0xb8;
	[tilespmem:$0x1E080] =	vst v63  }
0x72: {  	_ =	swait.ge [sflag:s18], $0x3E80  }
0x73: {  	[sflag:s18] =	ssyncset.done $0x0  }
0x74: {  	s19 =	simm.s32 $0x0;
	[sflag:s18] =	ssyncadd.s32 $0xFFFFC180  }
0x75: {  	[tilespmem:s19], [sflag:$0x3] =	stream.linear.gather [hbm4b:s13+s19], $0x1400, $0x38;
	[tilespmem:$0x1E080] =	vst v63  }
0x76: {  	_ =	swait.ge [sflag:s18], $0x1400  }
0x77: {  	[sflag:s18] =	ssyncset.done $0x0  }
0x78: {  	[sflag:s18] =	ssyncadd.s32 $0xFFFFEC00  }
0x79: {  	[tilespmem:s20], [sflag:$0x3] =	stream.linear.gather [hbm4b:s14+s19], $0x1400, $0x38;
	[tilespmem:$0x1E080] =	vst v63  }
0x7a: {  	_ =	swait.ge [sflag:s18], $0x1400  }
0x7b: {  	[sflag:s18] =	ssyncset.done $0x0  }
0x7c: {  	[sflag:s18] =	ssyncadd.s32 $0xFFFFEC00  }
0x7d: {  	[tilespmem:s22], [sflag:$0x1] =	stream.indirect.gather [hbm4b:s1+s21], $0x80, s19, s21, $0xb8;
	[tilespmem:$0x1E080] =	vst v63  }
0x7e: {  	s5 =	simm.s32 $0x80  }
0x7f: {  	[tilespmem:s23], [sflag:$0x2] =	stream.indirect.gather [hbm4b:s1+s21], $0x80, s5, s21, $0xb8;
	[tilespmem:$0x1E080] =	vst v63  }
0x80: {  	_ =	swait.ge [sflag:s24], $0x3E80  }
0x81: {  	[sflag:s24] =	ssyncset.done $0x0  }
0x82: {  	s19 =	simm.s32 $0x1400;
	[sflag:s24] =	ssyncadd.s32 $0xFFFFC180  }
0x83: {  	[spmem:s2] =	stream.indirect.scatter.add.f32 [tilespmem:s22], [sflag:$0x3], $0x80, s19, s21, $0xb8;
	[tilespmem:$0x1E080] =	vst v63  }
0x84: {  	_ =	swait.ge [sflag:s18], $0x3E80  }
0x85: {  	[sflag:s18] =	ssyncset.done $0x0  }
0x86: {  	s5 =	simm.s32 $0x100;
	[sflag:s18] =	ssyncadd.s32 $0xFFFFC180  }
0x87: {  	[tilespmem:s22], [sflag:$0x1] =	stream.indirect.gather [hbm4b:s1+s21], $0x80, s5, s21, $0xb8;
	[tilespmem:$0x1E080] =	vst v63  }
0x88: {  	_ =	swait.ge [sflag:s25], $0x3E80  }
0x89: {  	[sflag:s25] =	ssyncset.done $0x0  }
0x8a: {  	s19 =	simm.s32 $0x1480;
	[sflag:s25] =	ssyncadd.s32 $0xFFFFC180  }
0x8b: {  	[spmem:s2] =	stream.indirect.scatter.add.f32 [tilespmem:s23], [sflag:$0x3], $0x80, s19, s21, $0xb8;
	[tilespmem:$0x1E080] =	vst v63  }
0x8c: {  	_ =	swait.ge [sflag:s18], $0x3E80  }
0x8d: {  	s31 =	simm.s32 $0x800;
	s30 =	simm.s32 $0x100;
	[sflag:s18] =	ssyncset.done $0x0  }
.LBB2_8:
0x8e: {  	s0 =	sadd.s32 $0x80, s30  }
0x8f: {  	[sflag:s18] =	ssyncadd.s32 $0xFFFFC180;
	s5 =	smov.u32 s31;
	s19 =	sadd.s32 $0x400, s31  }
0x90: {  	[tilespmem:s23], [sflag:$0x2] =	stream.indirect.gather [hbm4b:s1+s21], $0x80, s0, s21, $0xb8;
	[tilespmem:$0x1E080] =	vst v63  }
0x91: {  	p3 =	sne.s32 s31, $0x4800;
	_ =	swait.ge [sflag:s24], $0x3E80  }
0x92: {  	[sflag:s24] =	ssyncset.done $0x0  }
0x93: {  	s0 =	sadd.s32 $0x1400, s30;
	[sflag:s24] =	ssyncadd.s32 $0xFFFFC180  }
0x94: {  	[spmem:s2] =	stream.indirect.scatter.add.f32 [tilespmem:s22], [sflag:$0x3], $0x80, s0, s21, $0xb8;
	[tilespmem:$0x1E080] =	vst v63  }
0x95: {  	_ =	swait.ge [sflag:s18], $0x3E80  }
0x96: {  	[sflag:s18] =	ssyncset.done $0x0  }
0x97: {  	s0 =	sadd.s32 $0x100, s30;
	[sflag:s18] =	ssyncadd.s32 $0xFFFFC180  }
0x98: {  	[tilespmem:s22], [sflag:$0x1] =	stream.indirect.gather [hbm4b:s1+s21], $0x80, s0, s21, $0xb8;
	[tilespmem:$0x1E080] =	vst v63  }
0x99: {  	_ =	swait.ge [sflag:s25], $0x3E80  }
.Ltmp5:
0x9a: {  	[sflag:s25] =	ssyncset.done $0x0;
	(pc) =	sbr.rel @p3 .LBB2_8-.Ltmp5, $4  }
0x9b: {  	s0 =	sadd.s32 $0x1480, s30;
	[sflag:s25] =	ssyncadd.s32 $0xFFFFC180  }
0x9c: {  	[spmem:s2] =	stream.indirect.scatter.add.f32 [tilespmem:s23], [sflag:$0x3], $0x80, s0, s21, $0xb8;
	[tilespmem:$0x1E080] =	vst v63  }
0x9d: {  	_ =	swait.ge [sflag:s18], $0x3E80  }
0x9e: {  	s31 =	smov.u32 s19;
	s30 =	sshra.s32 s5, $0x2;
	[sflag:s18] =	ssyncset.done $0x0  }
0x9f: {  	s0 =	sadd.s32 $0x80, s30;
	[sflag:s18] =	ssyncadd.s32 $0xFFFFC180  }
0xa0: {  	[tilespmem:s23], [sflag:$0x2] =	stream.indirect.gather [hbm4b:s1+s21], $0x80, s0, s21, $0xb8;
	[tilespmem:$0x1E080] =	vst v63  }
0xa1: {  	_ =	swait.ge [sflag:s24], $0x3E80  }
0xa2: {  	[sflag:s24] =	ssyncset.done $0x0  }
0xa3: {  	s5 =	sadd.s32 $0x1400, s30;
	[sflag:s24] =	ssyncadd.s32 $0xFFFFC180  }
0xa4: {  	[spmem:s2] =	stream.indirect.scatter.add.f32 [tilespmem:s22], [sflag:$0x3], $0x80, s5, s21, $0xb8;
	[tilespmem:$0x1E080] =	vst v63  }
0xa5: {  	_ =	swait.ge [sflag:s18], $0x3E80  }
0xa6: {  	[sflag:s18] =	ssyncset.done $0x0  }
0xa7: {  	s19 =	sadd.s32 $0x100, s30;
	[sflag:s18] =	ssyncadd.s32 $0xFFFFC180  }
0xa8: {  	[tilespmem:s22], [sflag:$0x1] =	stream.indirect.gather [hbm4b:s1+s21], $0x80, s19, s21, $0xb8;
	[tilespmem:$0x1E080] =	vst v63  }
0xa9: {  	_ =	swait.ge [sflag:s25], $0x3E80  }
0xaa: {  	[sflag:s25] =	ssyncset.done $0x0  }
0xab: {  	s31 =	sadd.s32 $0x1480, s30;
	[sflag:s25] =	ssyncadd.s32 $0xFFFFC180  }
0xac: {  	[spmem:s2] =	stream.indirect.scatter.add.f32 [tilespmem:s23], [sflag:$0x3], $0x80, s31, s21, $0xb8;
	[tilespmem:$0x1E080] =	vst v63  }
0xad: {  	_ =	swait.ge [sflag:s18], $0x3E80  }
0xae: {  	[sflag:s18] =	ssyncset.done $0x0  }
0xaf: {  	[sflag:s18] =	ssyncadd.s32 $0xFFFFC180  }
0xb0: {  	[tilespmem:s23], [sflag:$0x2] =	stream.indirect.gather [hbm4b:s1+s21], $0x80, s26, s21, $0xb8;
	[tilespmem:$0x1E080] =	vst v63  }
0xb1: {  	_ =	swait.ge [sflag:s24], $0x3E80  }
0xb2: {  	[sflag:s24] =	ssyncset.done $0x0  }
0xb3: {  	[sflag:s24] =	ssyncadd.s32 $0xFFFFC180  }
0xb4: {  	[spmem:s2] =	stream.indirect.scatter.add.f32 [tilespmem:s22], [sflag:$0x3], $0x80, s28, s21, $0xb8;
	[tilespmem:$0x1E080] =	vst v63  }
0xb5: {  	_ =	swait.ge [sflag:s18], $0x3E80  }
0xb6: {  	[sflag:s18] =	ssyncset.done $0x0  }
0xb7: {  	[sflag:s18] =	ssyncadd.s32 $0xFFFFC180  }
0xb8: {  	_ =	swait.ge [sflag:s25], $0x3E80  }
0xb9: {  	[sflag:s25] =	ssyncset.done $0x0  }
0xba: {  	[sflag:s25] =	ssyncadd.s32 $0xFFFFC180  }
0xbb: {  	[spmem:s2] =	stream.indirect.scatter.add.f32 [tilespmem:s23], [sflag:$0x3], $0x80, s29, s21, $0xb8;
	[tilespmem:$0x1E080] =	vst v63  }
0xbc: {  	_ =	swait.ge [sflag:s18], $0x3E80  }
0xbd: {  	[sflag:s18] =	ssyncset.done $0x0  }
0xbe: {  	[sflag:s18] =	ssyncadd.s32 $0xFFFFC180  }
0xbf: {  	s0 =	sor.u32 $0x1C03, s15;
	[bflag:$0x0] =	sbarrier.arrive $0xFFFF  }
0xc0: {  	[hbm:s8], [sflag:s0] =	dma.local [spmem:s17], $0x2700  }
0xc1: {  	_ =	swait.ge [sflag:s18], $0x2700  }
0xc2: {  	s3 =	sadd.s32 $0x1, s3;
	[sflag:s18] =	ssyncset.done $0x0  }
0xc3: {  	p3 =	sne.s32 s3, s10;
	s5 =	sshrl.u32 @!p1 s6, $0x3;
	[sflag:s18] =	ssyncadd.s32 $0xFFFFD900  }
0xc4: {  	[hbm:s9], [sflag:s0] =	dma.local @!p1 [spmem:s5], $0x100  }
.Ltmp6:
0xc5: {  	_ = 	snop;
	(pc) =	sbr.rel @p3 .LBB2_1-.Ltmp6, $4  }
0xc6: {  	s0 =	simm.s32 @!p1 $0x3  }
0xc7: {  	_ =	swait.ge @!p1 [sflag:s0], $0x100  }
0xc8: {  	[sflag:s0] =	ssyncset.done @!p1 $0x0  }
0xc9: {  	[sflag:s0] =	ssyncadd.s32 @!p1 $0xFFFFFF00  }
0xca: {  	_ =	sfence.sel $0x180000  }
0xcb: {  	[bflag:$0x0] =	sbarrier.arrive $0xFFFF  }
0xcc: {  	_ =	strace $0x90000047  }
0xcd: {  	[bflag:$0x2] =	sbarrier.arrive $0xFFFF  }
0xce: {  	s0 =	rddreg [dreg:$0x4]  }
0xcf: {  	s0 =	sadd.s32 @!p1 $0x100000, s0  }
0xd0: {  	[sflag:s0] =	ssyncadd.tile.s32 @!p1 $0x1;
	_ =	shalt  }
.Lfunc_end2:
_tile_overlayer_lowered:
.L_overlay_start_2:
0xd1: {  	(tag) =	ssettag $0x2  }
0xd2: {  	s0 =	rddreg [dreg:$0x0];
	s2 =	stileid.u32  }
0xd3: {  	s1 =	rddreg [dreg:$0x1];
	p0 =	sne.s32 s2, $0x0  }
0xd4: {  	s3 =	rddreg [dreg:$0x2];
	[bflag:$0x3] =	sbarrier.arrive $0xFFFF;
	s2 =	simm.s32 @!p0 $0x1C03  }
0xd5: {  	[timem:s3], [sflag:s2] =	dma.local @!p0 [hbm:s0], s1  }
0xd6: {  	s0 =	simm.s32 @!p0 $0x3  }
0xd7: {  	_ =	swait.ge @!p0 [sflag:s0], s1  }
0xd8: {  	s1 =	ssub.s32 @!p0 $0x0, s1;
	[sflag:s0] =	ssyncset.done @!p0 $0x0  }
0xd9: {  	[sflag:s0] =	ssyncadd.s32 @!p0 s1  }
0xda: {  	[bflag:$0x3] =	sbarrier.arrive $0xFFFF  }
0xdb: {  	_ =	shalt  }

</sc_bundles>
